<compile_context>
chip_gen: v7x
topology: tpu7x:2x2x1
jax: 0.10.2.dev20260603
libtpu: 0.0.44.dev20260713+nightly
codegen_flags: <defaults>
</compile_context>

<pallas_src>
import functools

import jax
import jax.numpy as jnp
from jax import lax
from jax.experimental import pallas as pl
from jax.experimental.pallas import tpu as pltpu
from jax.experimental.pallas import tpu_sc as plsc

_NC = 2
_NS = 16
_CH = 128


def _linear_body(x_ref, w_ref, b_ref, o_ref):
    o_ref[...] = (
        jnp.dot(x_ref[...], w_ref[...], preferred_element_type=jnp.float32)
        + b_ref[...]
    )


def _sum_linear_body(a_ref, a2_ref, w_ref, b_ref, o_ref):
    a = a_ref[...] + a2_ref[...]
    o_ref[...] = (
        jnp.dot(a, w_ref[...], preferred_element_type=jnp.float32) + b_ref[...]
    )


def _block_rows(m):
    for bm in (1024, 1000, 512, 500, 256, 250, 128, 64, 32, 16, 8):
        if m % bm == 0:
            return bm
    return m


def _linear(x, w, b, body, extra=None):
    m, d = x.shape
    dout = w.shape[1]
    bm = _block_rows(m)
    xs = [x] if extra is None else [x, extra]
    in_specs = [pl.BlockSpec((bm, d), lambda i: (i, 0)) for _ in xs]
    in_specs += [
        pl.BlockSpec((d, dout), lambda i: (0, 0)),
        pl.BlockSpec((1, dout), lambda i: (0, 0)),
    ]
    return pl.pallas_call(
        body,
        grid=(m // bm,),
        in_specs=in_specs,
        out_specs=pl.BlockSpec((bm, dout), lambda i: (i, 0)),
        out_shape=jax.ShapeDtypeStruct((m, dout), jnp.float32),
    )(*xs, w, b.reshape(1, dout))


@functools.cache
def _make_sc_scatter(n_acc, ep, d):
    nw = _NC * _NS
    nchunks = ep // (nw * _CH)
    rows_per_sub = n_acc // _NS
    mesh = plsc.VectorSubcoreMesh(core_axis_name="c", subcore_axis_name="s")

    @functools.partial(
        pl.kernel,
        mesh=mesh,
        out_type=jax.ShapeDtypeStruct((_NC, n_acc, d), jnp.float32),
        scratch_types=[
            pltpu.VMEM((1, _CH), jnp.int32),
            pltpu.VMEM((1, _CH), jnp.int32),
            pltpu.VMEM((_CH, d), jnp.float32),
            pltpu.VMEM_SHARED((n_acc, d), jnp.float32),
            pltpu.SemaphoreType.DMA,
        ],
    )
    def sc_scatter(h_hbm, src_hbm, dst_hbm, z_hbm, out_hbm,
                   src_v, dst_v, rows_v, acc_sh, sem):
        c = lax.axis_index("c")
        s = lax.axis_index("s")
        wid = s * _NC + c
        r0 = s * rows_per_sub
        pltpu.sync_copy(z_hbm.at[pl.ds(0, rows_per_sub)],
                        acc_sh.at[pl.ds(r0, rows_per_sub)])
        plsc.subcore_barrier()

        base = wid * nchunks * _CH

        def body(j, carry):
            off = base + j * _CH
            pltpu.sync_copy(src_hbm.at[pl.ds(off, _CH)], src_v.at[0])
            pltpu.sync_copy(dst_hbm.at[pl.ds(off, _CH)], dst_v.at[0])
            pltpu.async_copy(h_hbm.at[src_v.at[0]], rows_v, sem).wait()
            pltpu.sync_copy(rows_v, acc_sh.at[dst_v.at[0]], add=True)
            return carry

        lax.fori_loop(0, nchunks, body, 0)
        plsc.subcore_barrier()
        pltpu.sync_copy(acc_sh.at[pl.ds(r0, rows_per_sub)],
                        out_hbm.at[c, pl.ds(r0, rows_per_sub)])

    return sc_scatter


def kernel(x, edge_index, W_pre, b_pre, W_post, b_post):
    n, d = x.shape
    e = edge_index.shape[1]
    src = edge_index[0].astype(jnp.int32)
    dst = edge_index[1].astype(jnp.int32)

    nw = _NC * _NS
    ep = ((e + nw * _CH - 1) // (nw * _CH)) * (nw * _CH)
    n_acc = ((n + 1 + 1023) // 1024) * 1024
    pad = ep - e
    if pad:
        src = jnp.concatenate([src, jnp.zeros((pad,), jnp.int32)])
        dst = jnp.concatenate([dst, jnp.full((pad,), n, jnp.int32)])

    h = _linear(x, W_pre, b_pre, _linear_body)
    z = jnp.zeros((n_acc // _NS, d), jnp.float32)
    parts = _make_sc_scatter(n_acc, ep, d)(h, src, dst, z)
    out = _linear(parts[0], W_post, b_post, _sum_linear_body, extra=parts[1])
    return out[:n]

# --- scband reference (transcript-rebuilt; emitter-appended) ---
"""Pipeline reference for scband-gcn-12008728560160 (READ-ONLY COPY).

The authoritative reference and input builder live on the scoring server;
editing this copy changes nothing except your own understanding.
"""

import jax, jax.numpy as jnp
import numpy as np

N_NODES = 10000
N_EDGES = 320000
D_FEAT = 128

def setup_inputs(seed: int = 0) -> dict:
    key = jax.random.key(seed)
    k1, k2, k3, k4, k5, k6 = jax.random.split(key, 6)
    x = jax.random.normal(k1, (N_NODES, D_FEAT), dtype=jnp.float32)
    edge_index = jax.random.randint(k2, (2, N_EDGES), 0, N_NODES, dtype=jnp.int64)
    scale = 1.0 / np.sqrt(D_FEAT)
    W_pre = jax.random.uniform(k3, (D_FEAT, D_FEAT), dtype=jnp.float32, minval=-scale, maxval=scale)
    b_pre = jax.random.uniform(k4, (D_FEAT,), dtype=jnp.float32, minval=-scale, maxval=scale)
    W_post = jax.random.uniform(k5, (D_FEAT, D_FEAT), dtype=jnp.float32, minval=-scale, maxval=scale)
    b_post = jax.random.uniform(k6, (D_FEAT,), dtype=jnp.float32, minval=-scale, maxval=scale)
    return {"x": x, "edge_index": edge_index, "W_pre": W_pre, "b_pre": b_pre, "W_post": W_post, "b_post": b_post}

def reference(x, edge_index, W_pre, b_pre, W_post, b_post):
    # g.set_data('.hidden', data)
    h = x
    # g.apply(pre_mod, '.hidden')  -> per-node Linear
    h = h @ W_pre + b_pre
    # g.push(func, '.hidden') -> send src hidden along edges, sum-aggregate at dst
    src = edge_index[0]
    dst = edge_index[1]
    msg = jnp.take(h, src, axis=0)
    h = jnp.zeros((h.shape[0], h.shape[1]), dtype=h.dtype).at[dst].add(msg)
    # g.apply(post_mod, '.hidden') -> per-node Linear
    h = h @ W_post + b_post
    # g.pop_data('.hidden')
    return h

if __name__ == "__main__":
    import jax
    _d = setup_inputs()
    print(jax.jit(kernel)(*tuple(_d.values())))

</pallas_src>

<mosaic_0001>
#map = affine_map<(d0, d1) -> (0, 0)>
#map1 = affine_map<(d0, d1) -> (0)>
#map2 = affine_map<(d0, d1) -> (0, 0, 0)>
module attributes {stable_mosaic.version = 14 : i64} {
  func.func @sc_scatter(%arg0: i32, %arg1: i32, %arg2: memref<10000x128xf32, #tpu.memory_space<hbm>>, %arg3: memref<323584xi32, #tpu.memory_space<hbm>>, %arg4: memref<323584xi32, #tpu.memory_space<hbm>>, %arg5: memref<640x128xf32, #tpu.memory_space<hbm>>, %arg6: memref<2x10240x128xf32, #tpu.memory_space<hbm>>, %arg7: memref<1x128xi32, #tpu.memory_space<vmem>>, %arg8: memref<1x128xi32, #tpu.memory_space<vmem>>, %arg9: memref<128x128xf32, #tpu.memory_space<vmem>>, %arg10: memref<10240x128xf32, #tpu.memory_space<vmem_shared>>, %arg11: memref<!tpu.dma_semaphore, #tpu.memory_space<semaphore_mem>>) attributes {dimension_semantics = [#tpu.dimension_semantics<core_parallel>, #tpu.dimension_semantics<subcore_parallel>], iteration_bounds = array<i64: 2, 16>, scalar_prefetch = 0 : i64, scratch_operands = 5 : i64, tpu.core_type = #tpu.core_type<sc_vector_subcore>, window_params = [{transform_indices = #map}, {transform_indices = #map1}, {transform_indices = #map1}, {transform_indices = #map}, {transform_indices = #map2}]} {
    %mul3A = arith.constant 2 : i32
    %mul3A_0 = arith.muli %arg1, %mul3A : i32
    %add3A = arith.addi %mul3A_0, %arg0 : i32
    %mul3A_1 = arith.constant 640 : i32
    %mul3A_2 = arith.muli %arg1, %mul3A_1 : i32
    "tpu.region"() ({
      %run_scoped3A = tpu.sem_alloc : memref<!tpu.dma_semaphore, #tpu.memory_space<semaphore_mem>>
      %dma_start3A = arith.constant 0 : i32
      %dma_start3A_13 = tpu.memref_slice %arg10[%mul3A_2, %dma_start3A] : memref<10240x128xf32, #tpu.memory_space<vmem_shared>> -> memref<640x128xf32, #tpu.memory_space<vmem_shared>>
      %dma_start3A_14 = arith.constant 0 : i32
      %dma_start3A_15 = arith.constant 0 : i32
      %dma_start3A_16 = tpu.memref_slice %arg5[%dma_start3A_14, %dma_start3A_15] : memref<640x128xf32, #tpu.memory_space<hbm>> -> memref<640x128xf32, #tpu.memory_space<hbm>>
      tpu.enqueue_dma source(%dma_start3A_16 : memref<640x128xf32, #tpu.memory_space<hbm>>) target(%dma_start3A_13 : memref<640x128xf32, #tpu.memory_space<vmem_shared>>) target_semaphore(%run_scoped3A : memref<!tpu.dma_semaphore, #tpu.memory_space<semaphore_mem>>)
      %dma_wait3A = arith.constant 0 : i32
      %dma_wait3A_17 = tpu.memref_slice %arg10[%mul3A_2, %dma_wait3A] : memref<10240x128xf32, #tpu.memory_space<vmem_shared>> -> memref<640x128xf32, #tpu.memory_space<vmem_shared>>
      %dma_wait3A_18 = arith.constant 0 : i32
      %dma_wait3A_19 = arith.constant 0 : i32
      %dma_wait3A_20 = tpu.memref_slice %arg5[%dma_wait3A_18, %dma_wait3A_19] : memref<640x128xf32, #tpu.memory_space<hbm>> -> memref<640x128xf32, #tpu.memory_space<hbm>>
      tpu.wait_dma2 semaphore(%run_scoped3A : memref<!tpu.dma_semaphore, #tpu.memory_space<semaphore_mem>>) src(%dma_wait3A_20 : memref<640x128xf32, #tpu.memory_space<hbm>>) dst(%dma_wait3A_17 : memref<640x128xf32, #tpu.memory_space<vmem_shared>>)
      tpu.yield
    }) : () -> ()
    %barrier3A = arith.constant 0 : index
    tpu.barrier barrier_id(%barrier3A)
    %mul3A_3 = arith.constant 79 : i32
    %mul3A_4 = arith.muli %add3A, %mul3A_3 : i32
    %mul3A_5 = arith.constant 128 : i32
    %mul3A_6 = arith.muli %mul3A_4, %mul3A_5 : i32
    %scan3A = arith.constant 0 : i32
    %scan3A_7 = arith.constant 0 : i32
    %scan3A_8 = arith.constant 79 : i32
    %scan3A_9 = arith.addi %scan3A_7, %scan3A_8 : i32
    %scan3A_10 = arith.constant 1 : i32
    scf.for %scan3A_13 = %scan3A_7 to %scan3A_9 step %scan3A_10  : i32 {
      %mul3A_14 = arith.constant 128 : i32
      %mul3A_15 = arith.muli %scan3A_13, %mul3A_14 : i32
      %add3A_16 = arith.addi %mul3A_6, %mul3A_15 : i32
      %run_scoped3A = arith.constant 0 : i32
      "tpu.region"() ({
        %run_scoped3A_31 = tpu.sem_alloc : memref<!tpu.dma_semaphore, #tpu.memory_space<semaphore_mem>>
        %dma_start3A_32 = arith.constant 0 : i32
        %dma_start3A_33 = tpu.memref_slice %arg7[%run_scoped3A, %dma_start3A_32] : memref<1x128xi32, #tpu.memory_space<vmem>> -> memref<1x128xi32, #tpu.memory_space<vmem>>
        %dma_start3A_34 = tpu.memref_squeeze %dma_start3A_33 : memref<1x128xi32, #tpu.memory_space<vmem>> -> memref<128xi32, #tpu.memory_space<vmem>>
        %dma_start3A_35 = tpu.memref_slice %arg3[%add3A_16] : memref<323584xi32, #tpu.memory_space<hbm>> -> memref<128xi32, #tpu.memory_space<hbm>>
        %dma_start3A_36 = arith.constant 0 : i32
        %dma_start3A_37 = tpu.memref_slice %arg7[%run_scoped3A, %dma_start3A_36] : memref<1x128xi32, #tpu.memory_space<vmem>> -> memref<1x128xi32, #tpu.memory_space<vmem>>
        %dma_start3A_38 = tpu.memref_squeeze %dma_start3A_37 : memref<1x128xi32, #tpu.memory_space<vmem>> -> memref<128xi32, #tpu.memory_space<vmem>>
        %dma_start3A_39 = tpu.memref_slice %arg3[%add3A_16] : memref<323584xi32, #tpu.memory_space<hbm>> -> memref<128xi32, #tpu.memory_space<hbm>>
        tpu.enqueue_dma source(%dma_start3A_39 : memref<128xi32, #tpu.memory_space<hbm>>) target(%dma_start3A_38 : memref<128xi32, #tpu.memory_space<vmem>>) target_semaphore(%run_scoped3A_31 : memref<!tpu.dma_semaphore, #tpu.memory_space<semaphore_mem>>)
        %dma_wait3A_40 = arith.constant 0 : i32
        %dma_wait3A_41 = tpu.memref_slice %arg7[%run_scoped3A, %dma_wait3A_40] : memref<1x128xi32, #tpu.memory_space<vmem>> -> memref<1x128xi32, #tpu.memory_space<vmem>>
        %dma_wait3A_42 = tpu.memref_squeeze %dma_wait3A_41 : memref<1x128xi32, #tpu.memory_space<vmem>> -> memref<128xi32, #tpu.memory_space<vmem>>
        %dma_wait3A_43 = tpu.memref_slice %arg3[%add3A_16] : memref<323584xi32, #tpu.memory_space<hbm>> -> memref<128xi32, #tpu.memory_space<hbm>>
        %dma_wait3A_44 = arith.constant 0 : i32
        %dma_wait3A_45 = tpu.memref_slice %arg7[%run_scoped3A, %dma_wait3A_44] : memref<1x128xi32, #tpu.memory_space<vmem>> -> memref<1x128xi32, #tpu.memory_space<vmem>>
        %dma_wait3A_46 = tpu.memref_squeeze %dma_wait3A_45 : memref<1x128xi32, #tpu.memory_space<vmem>> -> memref<128xi32, #tpu.memory_space<vmem>>
        %dma_wait3A_47 = tpu.memref_slice %arg3[%add3A_16] : memref<323584xi32, #tpu.memory_space<hbm>> -> memref<128xi32, #tpu.memory_space<hbm>>
        tpu.wait_dma2 semaphore(%run_scoped3A_31 : memref<!tpu.dma_semaphore, #tpu.memory_space<semaphore_mem>>) src(%dma_wait3A_47 : memref<128xi32, #tpu.memory_space<hbm>>) dst(%dma_wait3A_46 : memref<128xi32, #tpu.memory_space<vmem>>)
        tpu.yield
      }) : () -> ()
      %run_scoped3A_17 = arith.constant 0 : i32
      "tpu.region"() ({
        %run_scoped3A_31 = tpu.sem_alloc : memref<!tpu.dma_semaphore, #tpu.memory_space<semaphore_mem>>
        %dma_start3A_32 = arith.constant 0 : i32
        %dma_start3A_33 = tpu.memref_slice %arg8[%run_scoped3A_17, %dma_start3A_32] : memref<1x128xi32, #tpu.memory_space<vmem>> -> memref<1x128xi32, #tpu.memory_space<vmem>>
        %dma_start3A_34 = tpu.memref_squeeze %dma_start3A_33 : memref<1x128xi32, #tpu.memory_space<vmem>> -> memref<128xi32, #tpu.memory_space<vmem>>
        %dma_start3A_35 = tpu.memref_slice %arg4[%add3A_16] : memref<323584xi32, #tpu.memory_space<hbm>> -> memref<128xi32, #tpu.memory_space<hbm>>
        %dma_start3A_36 = arith.constant 0 : i32
        %dma_start3A_37 = tpu.memref_slice %arg8[%run_scoped3A_17, %dma_start3A_36] : memref<1x128xi32, #tpu.memory_space<vmem>> -> memref<1x128xi32, #tpu.memory_space<vmem>>
        %dma_start3A_38 = tpu.memref_squeeze %dma_start3A_37 : memref<1x128xi32, #tpu.memory_space<vmem>> -> memref<128xi32, #tpu.memory_space<vmem>>
        %dma_start3A_39 = tpu.memref_slice %arg4[%add3A_16] : memref<323584xi32, #tpu.memory_space<hbm>> -> memref<128xi32, #tpu.memory_space<hbm>>
        tpu.enqueue_dma source(%dma_start3A_39 : memref<128xi32, #tpu.memory_space<hbm>>) target(%dma_start3A_38 : memref<128xi32, #tpu.memory_space<vmem>>) target_semaphore(%run_scoped3A_31 : memref<!tpu.dma_semaphore, #tpu.memory_space<semaphore_mem>>)
        %dma_wait3A_40 = arith.constant 0 : i32
        %dma_wait3A_41 = tpu.memref_slice %arg8[%run_scoped3A_17, %dma_wait3A_40] : memref<1x128xi32, #tpu.memory_space<vmem>> -> memref<1x128xi32, #tpu.memory_space<vmem>>
        %dma_wait3A_42 = tpu.memref_squeeze %dma_wait3A_41 : memref<1x128xi32, #tpu.memory_space<vmem>> -> memref<128xi32, #tpu.memory_space<vmem>>
        %dma_wait3A_43 = tpu.memref_slice %arg4[%add3A_16] : memref<323584xi32, #tpu.memory_space<hbm>> -> memref<128xi32, #tpu.memory_space<hbm>>
        %dma_wait3A_44 = arith.constant 0 : i32
        %dma_wait3A_45 = tpu.memref_slice %arg8[%run_scoped3A_17, %dma_wait3A_44] : memref<1x128xi32, #tpu.memory_space<vmem>> -> memref<1x128xi32, #tpu.memory_space<vmem>>
        %dma_wait3A_46 = tpu.memref_squeeze %dma_wait3A_45 : memref<1x128xi32, #tpu.memory_space<vmem>> -> memref<128xi32, #tpu.memory_space<vmem>>
        %dma_wait3A_47 = tpu.memref_slice %arg4[%add3A_16] : memref<323584xi32, #tpu.memory_space<hbm>> -> memref<128xi32, #tpu.memory_space<hbm>>
        tpu.wait_dma2 semaphore(%run_scoped3A_31 : memref<!tpu.dma_semaphore, #tpu.memory_space<semaphore_mem>>) src(%dma_wait3A_47 : memref<128xi32, #tpu.memory_space<hbm>>) dst(%dma_wait3A_46 : memref<128xi32, #tpu.memory_space<vmem>>)
        tpu.yield
      }) : () -> ()
      %dma_start3A = arith.constant 0 : i32
      %dma_start3A_18 = arith.constant 0 : i32
      %dma_start3A_19 = tpu.memref_slice %arg7[%dma_start3A, %dma_start3A_18] : memref<1x128xi32, #tpu.memory_space<vmem>> -> memref<1x128xi32, #tpu.memory_space<vmem>>
      %dma_start3A_20 = tpu.memref_squeeze %dma_start3A_19 : memref<1x128xi32, #tpu.memory_space<vmem>> -> memref<128xi32, #tpu.memory_space<vmem>>
      %dma_start3A_21 = arith.constant 0 : i32
      %dma_start3A_22 = arith.constant 0 : i32
      %dma_start3A_23 = tpu.memref_slice %arg2[%dma_start3A_21, %dma_start3A_22] : memref<10000x128xf32, #tpu.memory_space<hbm>> -> memref<10000x128xf32, #tpu.memory_space<hbm>>
      tpu.enqueue_indirect_dma source(%dma_start3A_23 : memref<10000x128xf32, #tpu.memory_space<hbm>>) target(%arg9 : memref<128x128xf32, #tpu.memory_space<vmem>>) offsets(%dma_start3A_20 : memref<128xi32, #tpu.memory_space<vmem>>) semaphore(%arg11 : memref<!tpu.dma_semaphore, #tpu.memory_space<semaphore_mem>>)
      %dma_wait3A = arith.constant 0 : i32
      %dma_wait3A_24 = arith.constant 0 : i32
      %dma_wait3A_25 = tpu.memref_slice %arg7[%dma_wait3A, %dma_wait3A_24] : memref<1x128xi32, #tpu.memory_space<vmem>> -> memref<1x128xi32, #tpu.memory_space<vmem>>
      %dma_wait3A_26 = tpu.memref_squeeze %dma_wait3A_25 : memref<1x128xi32, #tpu.memory_space<vmem>> -> memref<128xi32, #tpu.memory_space<vmem>>
      %dma_wait3A_27 = arith.constant 0 : i32
      %dma_wait3A_28 = arith.constant 0 : i32
      %dma_wait3A_29 = tpu.memref_slice %arg2[%dma_wait3A_27, %dma_wait3A_28] : memref<10000x128xf32, #tpu.memory_space<hbm>> -> memref<10000x128xf32, #tpu.memory_space<hbm>>
      tpu.wait_indirect_dma semaphore(%arg11 : memref<!tpu.dma_semaphore, #tpu.memory_space<semaphore_mem>>) src(%dma_wait3A_29 : memref<10000x128xf32, #tpu.memory_space<hbm>>) dst(%arg9 : memref<128x128xf32, #tpu.memory_space<vmem>>)
      %run_scoped3A_30 = arith.constant 0 : i32
      "tpu.region"() ({
        %run_scoped3A_31 = tpu.sem_alloc : memref<!tpu.dma_semaphore, #tpu.memory_space<semaphore_mem>>
        %dma_start3A_32 = arith.constant 0 : i32
        %dma_start3A_33 = tpu.memref_slice %arg8[%run_scoped3A_30, %dma_start3A_32] : memref<1x128xi32, #tpu.memory_space<vmem>> -> memref<1x128xi32, #tpu.memory_space<vmem>>
        %dma_start3A_34 = tpu.memref_squeeze %dma_start3A_33 : memref<1x128xi32, #tpu.memory_space<vmem>> -> memref<128xi32, #tpu.memory_space<vmem>>
        %dma_start3A_35 = arith.constant 0 : i32
        %dma_start3A_36 = arith.constant 0 : i32
        %dma_start3A_37 = tpu.memref_slice %arg10[%dma_start3A_35, %dma_start3A_36] : memref<10240x128xf32, #tpu.memory_space<vmem_shared>> -> memref<10240x128xf32, #tpu.memory_space<vmem_shared>>
        tpu.enqueue_indirect_dma source(%arg9 : memref<128x128xf32, #tpu.memory_space<vmem>>) target(%dma_start3A_37 : memref<10240x128xf32, #tpu.memory_space<vmem_shared>>) offsets(%dma_start3A_34 : memref<128xi32, #tpu.memory_space<vmem>>) semaphore(%run_scoped3A_31 : memref<!tpu.dma_semaphore, #tpu.memory_space<semaphore_mem>>) {add = true}
        %dma_wait3A_38 = arith.constant 0 : i32
        %dma_wait3A_39 = tpu.memref_slice %arg8[%run_scoped3A_30, %dma_wait3A_38] : memref<1x128xi32, #tpu.memory_space<vmem>> -> memref<1x128xi32, #tpu.memory_space<vmem>>
        %dma_wait3A_40 = tpu.memref_squeeze %dma_wait3A_39 : memref<1x128xi32, #tpu.memory_space<vmem>> -> memref<128xi32, #tpu.memory_space<vmem>>
        %dma_wait3A_41 = arith.constant 0 : i32
        %dma_wait3A_42 = arith.constant 0 : i32
        %dma_wait3A_43 = tpu.memref_slice %arg10[%dma_wait3A_41, %dma_wait3A_42] : memref<10240x128xf32, #tpu.memory_space<vmem_shared>> -> memref<10240x128xf32, #tpu.memory_space<vmem_shared>>
        tpu.wait_indirect_dma semaphore(%run_scoped3A_31 : memref<!tpu.dma_semaphore, #tpu.memory_space<semaphore_mem>>) src(%arg9 : memref<128x128xf32, #tpu.memory_space<vmem>>) dst(%dma_wait3A_43 : memref<10240x128xf32, #tpu.memory_space<vmem_shared>>)
        tpu.yield
      }) : () -> ()
    }
    %scan3A_11 = arith.constant 79 : i32
    %barrier3A_12 = arith.constant 0 : index
    tpu.barrier barrier_id(%barrier3A_12)
    "tpu.region"() ({
      %run_scoped3A = tpu.sem_alloc : memref<!tpu.dma_semaphore, #tpu.memory_space<semaphore_mem>>
      %dma_start3A = arith.constant 0 : i32
      %dma_start3A_13 = tpu.memref_slice %arg6[%arg0, %mul3A_2, %dma_start3A] : memref<2x10240x128xf32, #tpu.memory_space<hbm>> -> memref<1x640x128xf32, #tpu.memory_space<hbm>>
      %dma_start3A_14 = tpu.memref_squeeze %dma_start3A_13 : memref<1x640x128xf32, #tpu.memory_space<hbm>> -> memref<640x128xf32, #tpu.memory_space<hbm>>
      %dma_start3A_15 = arith.constant 0 : i32
      %dma_start3A_16 = tpu.memref_slice %arg10[%mul3A_2, %dma_start3A_15] : memref<10240x128xf32, #tpu.memory_space<vmem_shared>> -> memref<640x128xf32, #tpu.memory_space<vmem_shared>>
      tpu.enqueue_dma source(%dma_start3A_16 : memref<640x128xf32, #tpu.memory_space<vmem_shared>>) target(%dma_start3A_14 : memref<640x128xf32, #tpu.memory_space<hbm>>) target_semaphore(%run_scoped3A : memref<!tpu.dma_semaphore, #tpu.memory_space<semaphore_mem>>)
      %dma_wait3A = arith.constant 0 : i32
      %dma_wait3A_17 = tpu.memref_slice %arg6[%arg0, %mul3A_2, %dma_wait3A] : memref<2x10240x128xf32, #tpu.memory_space<hbm>> -> memref<1x640x128xf32, #tpu.memory_space<hbm>>
      %dma_wait3A_18 = tpu.memref_squeeze %dma_wait3A_17 : memref<1x640x128xf32, #tpu.memory_space<hbm>> -> memref<640x128xf32, #tpu.memory_space<hbm>>
      %dma_wait3A_19 = arith.constant 0 : i32
      %dma_wait3A_20 = tpu.memref_slice %arg10[%mul3A_2, %dma_wait3A_19] : memref<10240x128xf32, #tpu.memory_space<vmem_shared>> -> memref<640x128xf32, #tpu.memory_space<vmem_shared>>
      tpu.wait_dma2 semaphore(%run_scoped3A : memref<!tpu.dma_semaphore, #tpu.memory_space<semaphore_mem>>) src(%dma_wait3A_20 : memref<640x128xf32, #tpu.memory_space<vmem_shared>>) dst(%dma_wait3A_18 : memref<640x128xf32, #tpu.memory_space<hbm>>)
      tpu.yield
    }) : () -> ()
    return
  }
}

module attributes {stable_mosaic.version = 14 : i64} {
  func.func @_linear_body(%arg0: i32, %arg1: memref<1000x128xf32, #tpu.memory_space<vmem>>, %arg2: memref<128x128xf32, #tpu.memory_space<vmem>>, %arg3: memref<1x128xf32, #tpu.memory_space<vmem>>, %arg4: memref<1000x128xf32, #tpu.memory_space<vmem>>) attributes {dimension_semantics = [#tpu.dimension_semantics<arbitrary>], iteration_bounds = array<i64: 10>, scalar_prefetch = 0 : i64, scratch_operands = 0 : i64, tpu.core_type = #tpu.core_type<tc>, window_params = [{transform_indices = @transform_0, window_bounds = array<i64: 1000, 128>}, {pipeline_mode = #tpu.pipeline_mode<synchronous>, transform_indices = @transform_1, window_bounds = array<i64: 128, 128>}, {pipeline_mode = #tpu.pipeline_mode<synchronous>, transform_indices = @transform_2, window_bounds = array<i64: 1, 128>}, {transform_indices = @transform_3, window_bounds = array<i64: 1000, 128>}]} {
    %get3A = arith.constant 0 : index
    %get3A_0 = arith.constant 0 : index
    %get3A_1 = vector.load %arg1[%get3A, %get3A_0] : memref<1000x128xf32, #tpu.memory_space<vmem>>, vector<1000x128xf32>
    %get3A_2 = arith.constant 0 : index
    %get3A_3 = arith.constant 0 : index
    %get3A_4 = vector.load %arg2[%get3A_2, %get3A_3] : memref<128x128xf32, #tpu.memory_space<vmem>>, vector<128x128xf32>
    %dot_general3A = arith.constant dense<0.000000e+00> : vector<1000x128xf32>
    %dot_general3A_5 = tpu.matmul %get3A_1, %get3A_4, %dot_general3A {dimension_numbers = #tpu.dot_dimension_numbers<[1], [0], [0], [1], [0, 0, 1, 1], [], []>, transpose_lhs_hint = false} : vector<1000x128xf32>, vector<128x128xf32>, vector<1000x128xf32> -> vector<1000x128xf32>
    %get3A_6 = arith.constant 0 : index
    %get3A_7 = arith.constant 0 : index
    %get3A_8 = vector.load %arg3[%get3A_6, %get3A_7] : memref<1x128xf32, #tpu.memory_space<vmem>>, vector<1x128xf32>
    %add3A = vector.broadcast %get3A_8 : vector<1x128xf32> to vector<1000x128xf32>
    %add3A_9 = arith.addf %dot_general3A_5, %add3A : vector<1000x128xf32>
    %swap3A = arith.constant 0 : index
    %swap3A_10 = arith.constant 0 : index
    %swap3A_11 = vector.load %arg4[%swap3A, %swap3A_10] : memref<1000x128xf32, #tpu.memory_space<vmem>>, vector<1000x128xf32>
    tpu.vector_store %arg4[%swap3A, %swap3A_10], %add3A_9 {strides = array<i32>} : memref<1000x128xf32, #tpu.memory_space<vmem>>, vector<1000x128xf32>,
    return
  }
  func.func @transform_0(%arg0: i32) -> (i32, i32) {
    %c0_i32 = arith.constant 0 : i32
    %c0_i32_0 = arith.constant 0 : i32
    return %arg0, %c0_i32 : i32, i32
  }
  func.func @transform_1(%arg0: i32) -> (i32, i32) {
    %c0_i32 = arith.constant 0 : i32
    %c0_i32_0 = arith.constant 0 : i32
    %c0_i32_1 = arith.constant 0 : i32
    return %c0_i32, %c0_i32_0 : i32, i32
  }
  func.func @transform_2(%arg0: i32) -> (i32, i32) {
    %c0_i32 = arith.constant 0 : i32
    %c0_i32_0 = arith.constant 0 : i32
    %c0_i32_1 = arith.constant 0 : i32
    return %c0_i32, %c0_i32_0 : i32, i32
  }
  func.func @transform_3(%arg0: i32) -> (i32, i32) {
    %c0_i32 = arith.constant 0 : i32
    %c0_i32_0 = arith.constant 0 : i32
    return %arg0, %c0_i32 : i32, i32
  }
}

module attributes {stable_mosaic.version = 14 : i64} {
  func.func @_sum_linear_body(%arg0: i32, %arg1: memref<1024x128xf32, #tpu.memory_space<vmem>>, %arg2: memref<1024x128xf32, #tpu.memory_space<vmem>>, %arg3: memref<128x128xf32, #tpu.memory_space<vmem>>, %arg4: memref<1x128xf32, #tpu.memory_space<vmem>>, %arg5: memref<1024x128xf32, #tpu.memory_space<vmem>>) attributes {dimension_semantics = [#tpu.dimension_semantics<arbitrary>], iteration_bounds = array<i64: 10>, scalar_prefetch = 0 : i64, scratch_operands = 0 : i64, tpu.core_type = #tpu.core_type<tc>, window_params = [{transform_indices = @transform_0, window_bounds = array<i64: 1024, 128>}, {transform_indices = @transform_1, window_bounds = array<i64: 1024, 128>}, {pipeline_mode = #tpu.pipeline_mode<synchronous>, transform_indices = @transform_2, window_bounds = array<i64: 128, 128>}, {pipeline_mode = #tpu.pipeline_mode<synchronous>, transform_indices = @transform_3, window_bounds = array<i64: 1, 128>}, {transform_indices = @transform_4, window_bounds = array<i64: 1024, 128>}]} {
    %get3A = arith.constant 0 : index
    %get3A_0 = arith.constant 0 : index
    %get3A_1 = vector.load %arg1[%get3A, %get3A_0] : memref<1024x128xf32, #tpu.memory_space<vmem>>, vector<1024x128xf32>
    %get3A_2 = arith.constant 0 : index
    %get3A_3 = arith.constant 0 : index
    %get3A_4 = vector.load %arg2[%get3A_2, %get3A_3] : memref<1024x128xf32, #tpu.memory_space<vmem>>, vector<1024x128xf32>
    %add3A = arith.addf %get3A_1, %get3A_4 : vector<1024x128xf32>
    %get3A_5 = arith.constant 0 : index
    %get3A_6 = arith.constant 0 : index
    %get3A_7 = vector.load %arg3[%get3A_5, %get3A_6] : memref<128x128xf32, #tpu.memory_space<vmem>>, vector<128x128xf32>
    %dot_general3A = arith.constant dense<0.000000e+00> : vector<1024x128xf32>
    %dot_general3A_8 = tpu.matmul %add3A, %get3A_7, %dot_general3A {dimension_numbers = #tpu.dot_dimension_numbers<[1], [0], [0], [1], [0, 0, 1, 1], [], []>, transpose_lhs_hint = false} : vector<1024x128xf32>, vector<128x128xf32>, vector<1024x128xf32> -> vector<1024x128xf32>
    %get3A_9 = arith.constant 0 : index
    %get3A_10 = arith.constant 0 : index
    %get3A_11 = vector.load %arg4[%get3A_9, %get3A_10] : memref<1x128xf32, #tpu.memory_space<vmem>>, vector<1x128xf32>
    %add3A_12 = vector.broadcast %get3A_11 : vector<1x128xf32> to vector<1024x128xf32>
    %add3A_13 = arith.addf %dot_general3A_8, %add3A_12 : vector<1024x128xf32>
    %swap3A = arith.constant 0 : index
    %swap3A_14 = arith.constant 0 : index
    %swap3A_15 = vector.load %arg5[%swap3A, %swap3A_14] : memref<1024x128xf32, #tpu.memory_space<vmem>>, vector<1024x128xf32>
    tpu.vector_store %arg5[%swap3A, %swap3A_14], %add3A_13 {strides = array<i32>} : memref<1024x128xf32, #tpu.memory_space<vmem>>, vector<1024x128xf32>,
    return
  }
  func.func @transform_0(%arg0: i32) -> (i32, i32) {
    %c0_i32 = arith.constant 0 : i32
    %c0_i32_0 = arith.constant 0 : i32
    return %arg0, %c0_i32 : i32, i32
  }
  func.func @transform_1(%arg0: i32) -> (i32, i32) {
    %c0_i32 = arith.constant 0 : i32
    %c0_i32_0 = arith.constant 0 : i32
    return %arg0, %c0_i32 : i32, i32
  }
  func.func @transform_2(%arg0: i32) -> (i32, i32) {
    %c0_i32 = arith.constant 0 : i32
    %c0_i32_0 = arith.constant 0 : i32
    %c0_i32_1 = arith.constant 0 : i32
    return %c0_i32, %c0_i32_0 : i32, i32
  }
  func.func @transform_3(%arg0: i32) -> (i32, i32) {
    %c0_i32 = arith.constant 0 : i32
    %c0_i32_0 = arith.constant 0 : i32
    %c0_i32_1 = arith.constant 0 : i32
    return %c0_i32, %c0_i32_0 : i32, i32
  }
  func.func @transform_4(%arg0: i32) -> (i32, i32) {
    %c0_i32 = arith.constant 0 : i32
    %c0_i32_0 = arith.constant 0 : i32
    return %arg0, %c0_i32 : i32, i32
  }
}

</mosaic_0001>

<sc_bundles>
// kernel: kernel.5.cloned.1.call-start
scs
__scs_entry_jumppad:
0x0: {  	(pc) =	sbr.rel $0x88, $3  }
0x1: {  	(tag) =	ssettag $0x0;
	lr =	simm.s32 $0x1  }
0x2: {  	[smem:$0x3F9B] =	sst lr;
	_ =	strace $0xD0000000  }
0x3: {  	_ = 	snop  }
0x4: {  	_ = 	snop  }
0x5: {  	_ = 	snop  }
0x6: {  	_ = 	snop  }
0x7: {  	_ = 	snop  }
__scs_overlays_trampoline_lowered:
0x8: {  	[smem:$0x3FAA] =	sst s0  }
0x9: {  	[smem:$0x3FAB] =	sst s1  }
0xa: {  	[smem:$0x3FAC] =	sst s2  }
0xb: {  	[smem:$0x3FAD] =	sst s3  }
0xc: {  	[smem:$0x3FAE] =	sst s4  }
0xd: {  	[smem:$0x3FAF] =	sst s5  }
0xe: {  	[smem:$0x3FB0] =	sst s6  }
0xf: {  	[smem:$0x3FB1] =	sst s7  }
0x10: {  	[smem:$0x3FB2] =	sst s8  }
0x11: {  	[smem:$0x3FB3] =	sst s9;
	s0 =	simm.s32 @!p0 $0x0  }
0x12: {  	s1 =	sld [smem:$0x3F99];
	s0 =	simm.s32 @p0 $0x1  }
0x13: {  	[smem:$0x3FB4] =	sst s0;
	s0 =	simm.s32 @!p1 $0x0  }
0x14: {  	s2 =	sld [smem:$0x3F98];
	s0 =	simm.s32 @p1 $0x1  }
0x15: {  	[smem:$0x3FB5] =	sst s0;
	s0 =	simm.s32 @!p2 $0x0  }
0x16: {  	s3 =	sld [smem:$0x3FDB];
	s0 =	simm.s32 @p2 $0x1  }
0x17: {  	s4 =	simm.s32 $0x1BF5;
	[smem:$0x3FB7] =	sst s0  }
0x18: {  	s0 =	sld [smem:$0x3F9A];
	_ =	swait.ge [sflag:s4], $0x0  }
0x19: {  	s7 =	sld [smem:$0x3F9B]  }
0x1a: {  	s8 =	sadd.s32 $0xFFFFE003, lr  }
0x1b: {  	s9 =	sadd.s32 $0xFFFFFEF7, lr;
	s5 =	simm.s32 $0xFFFFFFFF;
	p2 =	slt.u32 s8, $0xFFFFF086  }
0x1c: {  	p1 =	slt.u32 s9, $0xF7A;
	s5 =	simm.s32 @!p2 $0x0  }
0x1d: {  	s5 =	simm.s32 @p1 $0x1;
	p0 =	seq.s32 s7, s2  }
0x1e: {  	s7 =	smul.u32 @!p0 $0xF7A, s2;
	p2 =	seq.s32 @!p0 s5, $0x0  }
0x1f: {  	s9 =	smul.u32 $0xF7A, s1;
	s8 =	simm.s32 @!p0 $0x1BF5;
	p2 =	por !p2, p0  }
0x20: {  	[sflag:s8] =	ssyncset.s32 @!p0 $0xFFFFF086;
	s6 =	sadd.s32 @!p0 s3, s7;
	s7 =	simm.s32 @!p0 $0x108  }
0x21: {  	s3 =	sadd.s32 s3, s9;
	s6 =	sadd.s32 @!p0 $0x88, s6;
	s7 =	simm.s32 @p2 $0x1082  }
0x22: {  	[simem:s7], [sflag:s8] =	dma.local @!p0 [hbm:s6], $0xF7A  }
0x23: {  	s9 =	sor.u32 $0xD0000000, s2;
	s6 =	simm.s32 $0x108;
	_ =	swait.ge @!p0 [sflag:s8], $0x0  }
0x24: {  	s3 =	sadd.s32 $0x88, s3;
	s6 =	simm.s32 @!p1 $0x1082;
	[sflag:s4] =	ssyncset.s32 $0xFFFFF086  }
0x25: {  	[simem:s6], [sflag:s4] =	dma.local [hbm:s3], $0xF7A  }
0x26: {  	[smem:$0x3F9B] =	sst s1;
	(tag) =	ssettag s2;
	_ =	strace s9  }
0x27: {  	s1 =	sld [smem:$0x3FAB]  }
0x28: {  	s2 =	sld [smem:$0x3FAC]  }
0x29: {  	s4 =	sld [smem:$0x3FAE]  }
0x2a: {  	p0 =	seq.s32 s5, $0x0;
	s5 =	sld [smem:$0x3FAF]  }
0x2b: {  	s6 =	sld [smem:$0x3FB0]  }
0x2c: {  	s7 =	sld [smem:$0x3FB1]  }
0x2d: {  	s3 =	simm.s32 $0x108;
	s8 =	sld [smem:$0x3FB2]  }
0x2e: {  	s3 =	simm.s32 @!p0 $0x1082;
	s9 =	sld [smem:$0x3FB3]  }
0x2f: {  	lr =	sadd.s32 s0, s3;
	s0 =	sld [smem:$0x3FAA]  }
0x30: {  	s3 =	sld [smem:$0x3FAD]  }
0x31: {  	[smem:$0x3FB6] =	sst s10  }
0x32: {  	s10 =	sld [smem:$0x3FB4];
	_ =	sdelay $0x3  }
0x33: {  	p0 =	seq.s32 s10, $0x1;
	s10 =	sld [smem:$0x3FB6];
	_ =	sdelay $0x3  }
0x34: {  	[smem:$0x3FB6] =	sst s10  }
0x35: {  	s10 =	sld [smem:$0x3FB5];
	_ =	sdelay $0x3  }
0x36: {  	p1 =	seq.s32 s10, $0x1;
	s10 =	sld [smem:$0x3FB6];
	_ =	sdelay $0x3  }
0x37: {  	[smem:$0x3FB6] =	sst s10  }
0x38: {  	s10 =	sld [smem:$0x3FB7]  }
0x39: {  	_ = 	snop;
	(pc) =	sbr.ind lr, $3  }
0x3a: {  	_ = 	snop  }
0x3b: {  	_ = 	snop  }
0x3c: {  	p2 =	seq.s32 s10, $0x1;
	s10 =	sld [smem:$0x3FB6]  }
0x3d: {  	_ =	shalt  }
0x3e: {  	_ =	shalt  }
0x3f: {  	_ =	shalt  }
0x40: {  	_ =	shalt  }
0x41: {  	_ =	shalt  }
0x42: {  	_ =	shalt  }
0x43: {  	_ =	shalt  }
0x44: {  	_ =	shalt  }
0x45: {  	_ =	shalt  }
0x46: {  	_ =	shalt  }
0x47: {  	_ =	shalt  }
0x48: {  	_ =	shalt  }
0x49: {  	_ =	shalt  }
0x4a: {  	_ =	shalt  }
0x4b: {  	_ =	shalt  }
0x4c: {  	_ =	shalt  }
0x4d: {  	_ =	shalt  }
0x4e: {  	_ =	shalt  }
0x4f: {  	_ =	shalt  }
0x50: {  	_ =	shalt  }
0x51: {  	_ =	shalt  }
0x52: {  	_ =	shalt  }
0x53: {  	_ =	shalt  }
0x54: {  	_ =	shalt  }
0x55: {  	_ =	shalt  }
0x56: {  	_ =	shalt  }
0x57: {  	_ =	shalt  }
0x58: {  	_ =	shalt  }
0x59: {  	_ =	shalt  }
0x5a: {  	_ =	shalt  }
0x5b: {  	_ =	shalt  }
0x5c: {  	_ =	shalt  }
0x5d: {  	_ =	shalt  }
0x5e: {  	_ =	shalt  }
0x5f: {  	_ =	shalt  }
0x60: {  	_ =	shalt  }
0x61: {  	_ =	shalt  }
0x62: {  	_ =	shalt  }
0x63: {  	_ =	shalt  }
0x64: {  	_ =	shalt  }
0x65: {  	_ =	shalt  }
0x66: {  	_ =	shalt  }
0x67: {  	_ =	shalt  }
0x68: {  	_ =	shalt  }
0x69: {  	_ =	shalt  }
0x6a: {  	_ =	shalt  }
0x6b: {  	_ =	shalt  }
0x6c: {  	_ =	shalt  }
0x6d: {  	_ =	shalt  }
0x6e: {  	_ =	shalt  }
0x6f: {  	_ =	shalt  }
0x70: {  	_ =	shalt  }
0x71: {  	_ =	shalt  }
0x72: {  	_ =	shalt  }
0x73: {  	_ =	shalt  }
0x74: {  	_ =	shalt  }
0x75: {  	_ =	shalt  }
0x76: {  	_ =	shalt  }
0x77: {  	_ =	shalt  }
0x78: {  	_ =	shalt  }
0x79: {  	_ =	shalt  }
0x7a: {  	_ =	shalt  }
0x7b: {  	_ =	shalt  }
0x7c: {  	_ =	shalt  }
0x7d: {  	_ =	shalt  }
0x7e: {  	_ =	shalt  }
0x7f: {  	_ =	shalt  }
0x80: {  	_ =	shalt  }
0x81: {  	_ =	shalt  }
0x82: {  	_ =	shalt  }
0x83: {  	_ =	shalt  }
0x84: {  	_ =	shalt  }
0x85: {  	_ =	shalt  }
0x86: {  	_ =	shalt  }
0x87: {  	_ =	shalt  }
.Lfunc_end0:
.L_simem_size_0:
called_computation_lowered:
.L_overlay_start_0:
0x88: {  	s2 =	sld [smem:$0x3FD9]  }
0x89: {  	s3 =	sld [smem:$0x3FFE];
	_ =	sdelay $0x1  }
0x8a: {  	s1 =	srdreg.scid  }
0x8b: {  	s0 =	sand.u32 $0x1, s1  }
0x8c: {  	s17 =	sshll.u32 s0, $0xA;
	s2 =	sadd.s32 s3, s2  }
0x8d: {  	s2 =	sadd.s32 s2, s17  }
0x8e: {  	[smem:$0x3FC2] =	sst s2  }
0x8f: {  	_ = 	snop  }
0x90: {  	s2 =	sld [smem:$0x3FD0];
	(tm) =	ssettm $0x1  }
0x91: {  	s18 =	sld [smem:$0x3FFB];
	_ =	sdelay $0x3  }
0x92: {  	_ =	strace s18  }
0x93: {  	s3 =	sld [smem:$0x3FFC];
	_ =	sdelay $0x3  }
0x94: {  	_ =	strace s3  }
0x95: {  	s3 =	sld [smem:$0x3FFD];
	_ =	sdelay $0x3  }
0x96: {  	_ =	strace s3  }
0x97: {  	_ =	strace $0x8FFFFFFF  }
0x98: {  	s19 =	sld [smem:$0x3FDB];
	_ =	sdelay $0x1  }
0x99: {  	s4 =	simm.s32 $_scs_section_size  }
0x9a: {  	s5 =	simm.s32 $_size__tile_overlayer_lowered;
	s6 =	simm.s32 $_tile_overlayer_lowered  }
0x9b: {  	s22 =	simm.s32 $0x1BFF;
	s21 =	sshll.u32 s6, $0x1;
	s3 =	sadd.s32 s4, s19  }
0x9c: {  	s7 =	simm.s32 $0x0;
	s20 =	sshll.u32 s5, $0x1;
	s5 =	sadd.s32 s21, s3  }
0x9d: {  	[timem:s7], [sflag:s22] =	dma.local [hbm:s5], s20  }
0x9e: {  	_ =	swait.ge [sflag:s22], s20  }
0x9f: {  	s4 =	ssub.s32 $0x0, s20;
	[sflag:s22] =	ssyncset.done $0x0  }
0xa0: {  	[sflag:s22] =	ssyncadd.s32 s4;
	_ =	sdelay $0x1  }
0xa1: {  	s23 =	simm.s32 $0x1B8B  }
0xa2: {  	_ =	swait.ge [sflag:s23], $0x1  }
0xa3: {  	[sflag:s23] =	ssyncset.done $0x0  }
0xa4: {  	s25 =	simm.s32 $0x1B8E;
	s24 =	sld [smem:$0x3FFE];
	[sflag:s23] =	ssyncadd.s32 $0xFFFFFFFF  }
0xa5: {  	s26 =	simm.s32 $execute0_lowered;
	[smem:$0x3FD2] =	sst s25  }
0xa6: {  	s5 =	sshll.u32 s26, $0x1;
	_ =	strace $0x80000046;
	[dreg:$0x1] =	wrdreg $0xFFFFFFFF  }
0xa7: {  	s28 =	simm.s32 $_size_execute0_lowered;
	s3 =	sadd.s32 s3, s5;
	[dreg:$0x0] =	wrdreg $0x0  }
0xa8: {  	s5 =	sshll.u32 s28, $0x1;
	[dreg:$0x2] =	wrdreg s3  }
0xa9: {  	[dreg:$0x3] =	wrdreg s5  }
0xaa: {  	[dreg:$0x4] =	wrdreg $0xC0  }
0xab: {  	_ =	task [dreg:s7], $0x5FFFF  }
0xac: {  	[dreg:$0x1] =	wrdreg $0xFFFFFFFF  }
0xad: {  	[dreg:$0x0] =	wrdreg $0x60  }
0xae: {  	[dreg:$0x2] =	wrdreg s2  }
0xaf: {  	[dreg:$0x3] =	wrdreg s24  }
0xb0: {  	[dreg:$0x4] =	wrdreg $0x41000  }
0xb1: {  	[dreg:$0x5] =	wrdreg $0x9  }
0xb2: {  	_ =	task.clear_ibuf [dreg:s7], $0x6FFFF;
	_ =	strace $0x90000046  }
0xb3: {  	s29 =	simm.s32 $0x9;
	_ =	strace $0x80000048  }
0xb4: {  	_ =	swait.ge [sflag:s29], $0x1  }
0xb5: {  	[sflag:s29] =	ssyncadd.s32 $0xFFFFFFFF  }
0xb6: {  	_ =	strace $0x90000048  }
0xb7: {  	_ =	sfence  }
0xb8: {  	s30 =	sld [smem:$0x0];
	_ =	sdelay $0x2  }
0xb9: {  	s31 =	sshll.u32 s1, $0xD;
	s1 =	sshrl.u32 s1, $0x2  }
0xba: {  	s3 =	sand.u32 $0x4000, s31;
	s1 =	sadd.s32 s1, s30  }
0xbb: {  	s0 =	sor.u32 s3, s0;
	s1 =	sshll.u32 s1, $0x11  }
0xbc: {  	s0 =	sor.u32 s1, s0  }
0xbd: {  	s0 =	sadd.s32 $0x8F2B, s0  }
0xbe: {  	[sflag:s0] =	ssyncadd.remote.s32 $0x1  }
0xbf: {  	_ =	sfence.sel $0xFFFF  }
0xc0: {  	[dreg:$0x0] =	wrdreg $0xFFFFFFFF;
	(pc) =	sbr.abs _section_cstart, $3  }
0xc1: {  	[dreg:$0x1] =	wrdreg $0xFFFFFFFF  }
0xc2: {  	_ =	task.clear_ibuf [dreg:s7], $0x2FFFF;
	_ =	strace $0x9FFFFFFF  }
0xc3: {  	(tm) =	ssettm $0x7FFFFFFF  }
tec
execute0_lowered:
.L_overlay_start_1:
0x0: {  	(tag) =	ssettag $0x1  }
0x1: {  	s0 =	rddreg [dreg:$0x0]  }
0x2: {  	s6 =	rddreg [dreg:$0x1];
	s1 =	srdreg.scid  }
0x3: {  	s3 =	rddreg [dreg:$0x2];
	s2 =	stileid.u32  }
0x4: {  	s4 =	simm.s32 $0x0;
	s14 =	simm.s32 $0x100;
	s8 =	smul.u32 $0x14000, s2  }
0x5: {  	s15 =	simm.s32 $0x1;
	s16 =	simm.s32 $0x0;
	s9 =	smul.u32 $0x9E0, s2  }
0x6: {  	s7 =	sand.u32 $0x1, s1;
	s1 =	rddreg [dreg:$0x3];
	s10 =	smul.u32 $0x50000, s2  }
0x7: {  	[smem:$0x7FF] =	sst s4;
	s30 =	sshll.u32 s2, $0x6;
	s5 =	smul.u32 $0x140000, s7  }
0x8: {  	_ =	strace $0x80000047;
	s29 =	ssub.s32 $0x2, s7;
	s12 =	smul.u32 $0x4F0, s7  }
0x9: {  	s26 =	sadd.s32 s9, s6;
	s11 =	sshrl.u32 s29, $0x1;
	s10 =	sshrl.u32 s10, $0x2  }
0xa: {  	s5 =	sadd.s32 s8, s5;
	s11 =	ssub.s32 s29, s11;
	s13 =	sadd.s32 s10, s3  }
0xb: {  	s31 =	sadd.s32 s12, s26;
	s12 =	simm.s32 $0x2;
	s28 =	sshrl.u32 s5, $0x3  }
0xc: {  	s5 =	sadd.s32 $0x14600, s6;
	s8 =	smax.u32 s11, $0x1;
	s10 =	sadd.s32 $0xA800, s31  }
0xd: {  	s11 =	sshrl.u32 s13, $0x3;
	s13 =	simm.s32 $0x80;
	s9 =	sadd.s32 s28, s6  }
0xe: {  	s6 =	sor.u32 $0x1C02, s30;
	s7 =	sadd.s32 $0x16E00, s9;
	s9 =	sadd.s32 $0xA00, s31  }
.LBB2_1:
0xf: {  	[spmem:s11], [sflag:s6] =	dma.local [hbm:s5], $0x2800  }
0x10: {  	_ =	swait.ge [sflag:s12], $0x2800  }
0x11: {  	[sflag:s12] =	ssyncset.done $0x0  }
0x12: {  	[sflag:s12] =	ssyncadd.s32 $0xFFFFD800  }
0x13: {  	s17 =	sadd.s32 $0x0, s10;
	[bflag:$0x0] =	sbarrier.arrive $0xFFFF  }
0x14: {  	[tilespmem:s4], [sflag:$0x2] =	stream.linear.gather [hbm4b:s17+s4], $0x80, $0x38;
	[tilespmem:$0x18100] =	vst v63  }
0x15: {  	_ =	swait.ge [sflag:s12], $0x80  }
0x16: {  	[sflag:s12] =	ssyncset.done $0x0  }
0x17: {  	s31 =	sadd.s32 $0x0, s9;
	[sflag:s12] =	ssyncadd.s32 $0xFFFFFF80  }
0x18: {  	[tilespmem:s13], [sflag:$0x2] =	stream.linear.gather [hbm4b:s31+s4], $0x80, $0x38;
	[tilespmem:$0x18100] =	vst v63  }
0x19: {  	_ =	swait.ge [sflag:s12], $0x80  }
0x1a: {  	[sflag:s12] =	ssyncset.done $0x0  }
0x1b: {  	[sflag:s12] =	ssyncadd.s32 $0xFFFFFF80  }
0x1c: {  	[tilespmem:s14], [sflag:$0x1] =	stream.indirect.gather [hbm4b:s0+s13], $0x80, s4, s13, $0xb8;
	[tilespmem:$0x18100] =	vst v63  }
0x1d: {  	_ =	swait.ge [sflag:s15], $0x4000  }
0x1e: {  	[sflag:s15] =	ssyncset.done $0x0  }
0x1f: {  	[sflag:s15] =	ssyncadd.s32 $0xFFFFC000  }
0x20: {  	[spmem:s3] =	stream.indirect.scatter.add.f32 [tilespmem:s14], [sflag:$0x2], $0x80, s13, s13, $0xb8;
	[tilespmem:$0x18100] =	vst v63  }
0x21: {  	_ =	swait.ge [sflag:s12], $0x4000  }
0x22: {  	s18 =	simm.s32 $0x20;
	s17 =	simm.s32 $0x10;
	[sflag:s12] =	ssyncset.done $0x0  }
.LBB2_2:
0x23: {  	s19 =	sadd.s32 s17, s10  }
0x24: {  	[sflag:s12] =	ssyncadd.s32 $0xFFFFC000;
	s20 =	smov.u32 s18;
	s21 =	sadd.s32 $0x10, s18  }
0x25: {  	[tilespmem:s4], [sflag:$0x2] =	stream.linear.gather [hbm4b:s19+s4], $0x80, $0x38;
	[tilespmem:$0x18100] =	vst v63  }
0x26: {  	p0 =	sne.s32 s18, $0x4E0;
	_ =	swait.ge [sflag:s12], $0x80  }
0x27: {  	[sflag:s12] =	ssyncset.done $0x0  }
0x28: {  	s18 =	sadd.s32 s17, s9;
	s17 =	smov.u32 s20;
	[sflag:s12] =	ssyncadd.s32 $0xFFFFFF80  }
0x29: {  	[tilespmem:s13], [sflag:$0x2] =	stream.linear.gather [hbm4b:s18+s4], $0x80, $0x38;
	[tilespmem:$0x18100] =	vst v63  }
0x2a: {  	_ =	swait.ge [sflag:s12], $0x80  }
0x2b: {  	[sflag:s12] =	ssyncset.done $0x0  }
0x2c: {  	[sflag:s12] =	ssyncadd.s32 $0xFFFFFF80  }
0x2d: {  	[tilespmem:s14], [sflag:$0x1] =	stream.indirect.gather [hbm4b:s0+s13], $0x80, s4, s13, $0xb8;
	[tilespmem:$0x18100] =	vst v63  }
0x2e: {  	_ =	swait.ge [sflag:s15], $0x4000  }
.Ltmp0:
0x2f: {  	[sflag:s15] =	ssyncset.done $0x0;
	(pc) =	sbr.rel @p0 .LBB2_2-.Ltmp0, $4  }
0x30: {  	[sflag:s15] =	ssyncadd.s32 $0xFFFFC000  }
0x31: {  	[spmem:s3] =	stream.indirect.scatter.add.f32 [tilespmem:s14], [sflag:$0x2], $0x80, s13, s13, $0xb8;
	[tilespmem:$0x18100] =	vst v63  }
0x32: {  	_ =	swait.ge [sflag:s12], $0x4000  }
0x33: {  	s18 =	smov.u32 s21;
	[sflag:s12] =	ssyncset.done $0x0  }
0x34: {  	s18 =	sadd.s32 s17, s10;
	[sflag:s12] =	ssyncadd.s32 $0xFFFFC000  }
0x35: {  	[tilespmem:s4], [sflag:$0x2] =	stream.linear.gather [hbm4b:s18+s4], $0x80, $0x38;
	[tilespmem:$0x18100] =	vst v63  }
0x36: {  	_ =	swait.ge [sflag:s12], $0x80  }
0x37: {  	[sflag:s12] =	ssyncset.done $0x0  }
0x38: {  	s31 =	sadd.s32 s17, s9;
	[sflag:s12] =	ssyncadd.s32 $0xFFFFFF80  }
0x39: {  	[tilespmem:s13], [sflag:$0x2] =	stream.linear.gather [hbm4b:s31+s4], $0x80, $0x38;
	[tilespmem:$0x18100] =	vst v63  }
0x3a: {  	_ =	swait.ge [sflag:s12], $0x80  }
0x3b: {  	[sflag:s12] =	ssyncset.done $0x0  }
0x3c: {  	[sflag:s12] =	ssyncadd.s32 $0xFFFFFF80  }
0x3d: {  	[tilespmem:s14], [sflag:$0x1] =	stream.indirect.gather [hbm4b:s0+s13], $0x80, s4, s13, $0xb8;
	[tilespmem:$0x18100] =	vst v63  }
0x3e: {  	_ =	swait.ge [sflag:s15], $0x4000  }
0x3f: {  	[sflag:s15] =	ssyncset.done $0x0  }
0x40: {  	[sflag:s15] =	ssyncadd.s32 $0xFFFFC000  }
0x41: {  	[spmem:s3] =	stream.indirect.scatter.add.f32 [tilespmem:s14], [sflag:$0x2], $0x80, s13, s13, $0xb8;
	[tilespmem:$0x18100] =	vst v63  }
0x42: {  	_ =	swait.ge [sflag:s12], $0x4000  }
0x43: {  	s16 =	sadd.s32 $0x1, s16;
	[sflag:s12] =	ssyncset.done $0x0  }
0x44: {  	p0 =	sne.s32 s16, s8;
	[sflag:s12] =	ssyncadd.s32 $0xFFFFC000  }
.Ltmp1:
0x45: {  	[bflag:$0x0] =	sbarrier.arrive $0xFFFF;
	(pc) =	sbr.rel @p0 .LBB2_1-.Ltmp1, $4  }
0x46: {  	[hbm:s7], [sflag:s6] =	dma.local [spmem:s11], $0x2800  }
0x47: {  	_ =	swait.ge [sflag:s12], $0x2800  }
0x48: {  	[sflag:s12] =	ssyncset.done $0x0  }
0x49: {  	[sflag:s12] =	ssyncadd.s32 $0xFFFFD800  }
0x4a: {  	_ =	sfence.sel $0x180000  }
0x4b: {  	[bflag:$0x0] =	sbarrier.arrive $0xFFFF  }
0x4c: {  	p0 =	sne.s32 s2, $0x0;
	_ =	strace $0x90000047  }
0x4d: {  	s0 =	sadd.s32 @!p0 $0x100000, s1;
	[bflag:$0x2] =	sbarrier.arrive $0xFFFF  }
0x4e: {  	[sflag:s0] =	ssyncadd.tile.s32 @!p0 $0x1;
	_ =	shalt  }
.Lfunc_end2:
_tile_overlayer_lowered:
.L_overlay_start_2:
0x4f: {  	(tag) =	ssettag $0x2  }
0x50: {  	s0 =	rddreg [dreg:$0x0];
	s2 =	stileid.u32  }
0x51: {  	s1 =	rddreg [dreg:$0x1];
	p0 =	sne.s32 s2, $0x0  }
0x52: {  	s3 =	rddreg [dreg:$0x2];
	[bflag:$0x3] =	sbarrier.arrive $0xFFFF;
	s2 =	simm.s32 @!p0 $0x1C02  }
0x53: {  	[timem:s3], [sflag:s2] =	dma.local @!p0 [hbm:s0], s1  }
0x54: {  	s0 =	simm.s32 @!p0 $0x2  }
0x55: {  	_ =	swait.ge @!p0 [sflag:s0], s1  }
0x56: {  	s1 =	ssub.s32 @!p0 $0x0, s1;
	[sflag:s0] =	ssyncset.done @!p0 $0x0  }
0x57: {  	[sflag:s0] =	ssyncadd.s32 @!p0 s1  }
0x58: {  	[bflag:$0x3] =	sbarrier.arrive $0xFFFF  }
0x59: {  	_ =	shalt  }

</sc_bundles>
